<compile_context>
chip_gen: v7x
topology: tpu7x:2x2x1
jax: 0.10.2.dev20260603
libtpu: 0.0.44.dev20260713+nightly
codegen_flags: <defaults>
</compile_context>

<pallas_src>
import functools

import jax
import jax.numpy as jnp
from jax import lax
from jax.experimental import pallas as pl
from jax.experimental.pallas import tpu as pltpu
from jax.experimental.pallas import tpu_sc as plsc

B = 16384
D = 16
NC = 2
NS = 16
NW = NC * NS
BPW = B // NW
CH = 128
NCH = BPW // CH
BM = 2048
NBLK = B // BM


def _sc_gather_emb3(i1g, emb3):

    @functools.partial(
        pl.kernel,
        mesh=plsc.VectorSubcoreMesh(core_axis_name="c", subcore_axis_name="s"),
        compiler_params=pltpu.CompilerParams(use_tc_tiling_on_sc=False),
        out_type=jax.ShapeDtypeStruct((B, D), jnp.float32),
        scratch_types=[
            pltpu.VMEM((NCH, CH), jnp.int32),
            pltpu.VMEM((BPW, D), jnp.float32),
            pltpu.SemaphoreType.DMA,
        ],
    )
    def k(i1_hbm, t1_hbm, o1_hbm, idx_v, rows_v, sem):
        wid = lax.axis_index("s") * NC + lax.axis_index("c")
        base = wid * BPW
        pltpu.sync_copy(i1_hbm.at[wid], idx_v)
        copies = [
            pltpu.async_copy(
                t1_hbm.at[idx_v.at[j]], rows_v.at[pl.ds(j * CH, CH)], sem)
            for j in range(NCH)
        ]
        for c in copies:
            c.wait()
        pltpu.sync_copy(rows_v, o1_hbm.at[pl.ds(base, BPW)])

    return k(i1g, emb3)


def _tc_gather_mlp(i2, e1, xo, emb, W1a, W1b, W1c, b1, W2, b2, W3, b3):
    def body(i2_s, emb_hbm, e1_ref, xo_ref, w1a_ref, w1b_ref,
             w1c_ref, b1_ref, w2_ref, b2_ref, w3_ref, b3_ref, o_ref,
             e2b, sem):
        k = pl.program_id(0)
        base = k * BM

        def issue(r, carry):
            b = i2_s[base + r]
            pltpu.make_async_copy(
                emb_hbm.at[pl.ds(b, 1)], e2b.at[pl.ds(r, 1)], sem).start()
            return carry

        lax.fori_loop(0, BM, issue, 0, unroll=16)
        pltpu.make_async_copy(emb_hbm.at[pl.ds(0, BM)], e2b, sem).wait()

        h = (e1_ref[...] @ w1a_ref[...]
             + e2b[...] @ w1b_ref[...]
             + xo_ref[...] @ w1c_ref[...]
             + b1_ref[...])
        h = jnp.maximum(h, 0.0)
        h = jnp.maximum(h @ w2_ref[...] + b2_ref[...], 0.0)
        o_ref[...] = h @ w3_ref[...] + b3_ref[...]

    fixed = lambda *shape: pl.BlockSpec(shape, lambda i, *_: (0,) * len(shape))
    grid_spec = pltpu.PrefetchScalarGridSpec(
        num_scalar_prefetch=1,
        grid=(NBLK,),
        in_specs=[
            pl.BlockSpec(memory_space=pl.ANY),
            pl.BlockSpec((BM, D), lambda i, *_: (i, 0)),
            pl.BlockSpec((BM, 64), lambda i, *_: (i, 0)),
            fixed(D, 128),
            fixed(D, 128),
            fixed(64, 128),
            fixed(1, 128),
            fixed(128, 128),
            fixed(1, 128),
            fixed(128, 1),
            fixed(1, 1),
        ],
        out_specs=pl.BlockSpec((BM, 1), lambda i, *_: (i, 0)),
        scratch_shapes=[
            pltpu.VMEM((BM, D), jnp.float32),
            pltpu.SemaphoreType.DMA,
        ],
    )
    return pl.pallas_call(
        body,
        grid_spec=grid_spec,
        out_shape=jax.ShapeDtypeStruct((B, 1), jnp.float32),
    )(i2, emb, e1, xo, W1a, W1b, W1c, b1, W2, b2, W3, b3)


def kernel(x, emb3, emb, W1, b1, W2, b2, W3, b3):
    i1 = x[:, 0].astype(jnp.int32)
    i2 = x[:, 1].astype(jnp.int32)
    xo = x[:, 2:]
    e1 = _sc_gather_emb3(i1.reshape(NW, NCH, CH), emb3)
    return _tc_gather_mlp(i2, e1, xo, emb,
                          W1[:D], W1[D:2 * D], W1[2 * D:],
                          b1.reshape(1, -1), W2, b2.reshape(1, -1),
                          W3, b3.reshape(1, 1))

# --- scband reference (transcript-rebuilt; emitter-appended) ---
"""Pipeline reference for scband-neural-network-26268019982435 (READ-ONLY COPY).

The authoritative reference and input builder live on the scoring server;
editing this copy changes nothing except your own understanding.
"""

import jax, jax.numpy as jnp
import numpy as np

B = 16384
N_PC3 = 100000
N_PC = 1000000
D_PC3 = 16
D_PC = 16
N_FEAT = 64
HIDDEN = 128
IN_FF = N_FEAT + D_PC3 + D_PC  # 66 + 16 + 16 - 2 = 96


def setup_inputs(seed: int = 0) -> dict:
    key = jax.random.key(seed)
    ks = jax.random.split(key, 12)
    i1 = jax.random.randint(ks[0], (B,), 0, N_PC3)
    i2 = jax.random.randint(ks[1], (B,), 0, N_PC)
    feats = jax.random.normal(ks[2], (B, N_FEAT), dtype=jnp.float32)
    # x packs the two index columns (as floats) followed by dense features,
    # matching the torch module's forward which slices x[:,0], x[:,1], x[:,2:].
    x = jnp.concatenate([i1[:, None].astype(jnp.float32),
                         i2[:, None].astype(jnp.float32),
                         feats], axis=1)
    emb3 = jax.random.normal(ks[3], (N_PC3, D_PC3), dtype=jnp.float32)
    emb = jax.random.normal(ks[4], (N_PC, D_PC), dtype=jnp.float32)
    W1 = jax.random.normal(ks[5], (IN_FF, HIDDEN), dtype=jnp.float32) * 0.05
    b1 = jnp.zeros((HIDDEN,), dtype=jnp.float32)
    W2 = jax.random.normal(ks[6], (HIDDEN, HIDDEN), dtype=jnp.float32) * 0.05
    b2 = jnp.zeros((HIDDEN,), dtype=jnp.float32)
    W3 = jax.random.normal(ks[7], (HIDDEN, 1), dtype=jnp.float32) * 0.05
    b3 = jnp.zeros((1,), dtype=jnp.float32)
    return {"x": x, "emb3": emb3, "emb": emb,
            "W1": W1, "b1": b1, "W2": W2, "b2": b2, "W3": W3, "b3": b3}


def reference(x, emb3, emb, W1, b1, W2, b2, W3, b3):
    i1 = x[:, 0].astype(jnp.int32)
    i2 = x[:, 1].astype(jnp.int32)
    other = x[:, 2:]
    e1 = jnp.take(emb3, i1, axis=0)
    e2 = jnp.take(emb, i2, axis=0)
    h = jnp.concatenate([e1, e2, other], axis=1)
    h = jax.nn.relu(h @ W1 + b1)
    h = jax.nn.relu(h @ W2 + b2)
    out = h @ W3 + b3
    return out

if __name__ == "__main__":
    import jax
    _d = setup_inputs()
    print(jax.jit(kernel)(*tuple(_d.values())))

</pallas_src>

<mosaic_0001>
#map = affine_map<(d0, d1) -> (0, 0, 0)>
#map1 = affine_map<(d0, d1) -> (0, 0)>
module attributes {stable_mosaic.version = 14 : i64} {
  func.func @k(%arg0: i32, %arg1: i32, %arg2: memref<32x4x128xi32, #tpu.memory_space<hbm>>, %arg3: memref<100000x16xf32, #tpu.memory_space<hbm>>, %arg4: memref<16384x16xf32, #tpu.memory_space<hbm>>, %arg5: memref<4x128xi32, #tpu.memory_space<vmem>>, %arg6: memref<512x16xf32, #tpu.memory_space<vmem>>, %arg7: memref<!tpu.dma_semaphore, #tpu.memory_space<semaphore_mem>>) attributes {dimension_semantics = [#tpu.dimension_semantics<core_parallel>, #tpu.dimension_semantics<subcore_parallel>], iteration_bounds = array<i64: 2, 16>, scalar_prefetch = 0 : i64, scratch_operands = 3 : i64, tpu.core_type = #tpu.core_type<sc_vector_subcore>, window_params = [{transform_indices = #map}, {transform_indices = #map1}, {transform_indices = #map1}]} {
    %mul3A = arith.constant 2 : i32
    %mul3A_0 = arith.muli %arg1, %mul3A : i32
    %add3A = arith.addi %mul3A_0, %arg0 : i32
    %mul3A_1 = arith.constant 512 : i32
    %mul3A_2 = arith.muli %add3A, %mul3A_1 : i32
    "tpu.region"() ({
      %run_scoped3A = tpu.sem_alloc : memref<!tpu.dma_semaphore, #tpu.memory_space<semaphore_mem>>
      %dma_start3A_81 = arith.constant 0 : i32
      %dma_start3A_82 = arith.constant 0 : i32
      %dma_start3A_83 = tpu.memref_slice %arg2[%add3A, %dma_start3A_81, %dma_start3A_82] : memref<32x4x128xi32, #tpu.memory_space<hbm>> -> memref<1x4x128xi32, #tpu.memory_space<hbm>>
      %dma_start3A_84 = tpu.memref_squeeze %dma_start3A_83 : memref<1x4x128xi32, #tpu.memory_space<hbm>> -> memref<4x128xi32, #tpu.memory_space<hbm>>
      %dma_start3A_85 = arith.constant 0 : i32
      %dma_start3A_86 = arith.constant 0 : i32
      %dma_start3A_87 = tpu.memref_slice %arg2[%add3A, %dma_start3A_85, %dma_start3A_86] : memref<32x4x128xi32, #tpu.memory_space<hbm>> -> memref<1x4x128xi32, #tpu.memory_space<hbm>>
      %dma_start3A_88 = tpu.memref_squeeze %dma_start3A_87 : memref<1x4x128xi32, #tpu.memory_space<hbm>> -> memref<4x128xi32, #tpu.memory_space<hbm>>
      tpu.enqueue_dma source(%dma_start3A_88 : memref<4x128xi32, #tpu.memory_space<hbm>>) target(%arg5 : memref<4x128xi32, #tpu.memory_space<vmem>>) target_semaphore(%run_scoped3A : memref<!tpu.dma_semaphore, #tpu.memory_space<semaphore_mem>>)
      %dma_wait3A_89 = arith.constant 0 : i32
      %dma_wait3A_90 = arith.constant 0 : i32
      %dma_wait3A_91 = tpu.memref_slice %arg2[%add3A, %dma_wait3A_89, %dma_wait3A_90] : memref<32x4x128xi32, #tpu.memory_space<hbm>> -> memref<1x4x128xi32, #tpu.memory_space<hbm>>
      %dma_wait3A_92 = tpu.memref_squeeze %dma_wait3A_91 : memref<1x4x128xi32, #tpu.memory_space<hbm>> -> memref<4x128xi32, #tpu.memory_space<hbm>>
      %dma_wait3A_93 = arith.constant 0 : i32
      %dma_wait3A_94 = arith.constant 0 : i32
      %dma_wait3A_95 = tpu.memref_slice %arg2[%add3A, %dma_wait3A_93, %dma_wait3A_94] : memref<32x4x128xi32, #tpu.memory_space<hbm>> -> memref<1x4x128xi32, #tpu.memory_space<hbm>>
      %dma_wait3A_96 = tpu.memref_squeeze %dma_wait3A_95 : memref<1x4x128xi32, #tpu.memory_space<hbm>> -> memref<4x128xi32, #tpu.memory_space<hbm>>
      tpu.wait_dma2 semaphore(%run_scoped3A : memref<!tpu.dma_semaphore, #tpu.memory_space<semaphore_mem>>) src(%dma_wait3A_96 : memref<4x128xi32, #tpu.memory_space<hbm>>) dst(%arg5 : memref<4x128xi32, #tpu.memory_space<vmem>>)
      tpu.yield
    }) : () -> ()
    %dma_start3A = arith.constant 0 : i32
    %dma_start3A_3 = arith.constant 0 : i32
    %dma_start3A_4 = arith.constant 0 : i32
    %dma_start3A_5 = tpu.memref_slice %arg6[%dma_start3A_3, %dma_start3A_4] : memref<512x16xf32, #tpu.memory_space<vmem>> -> memref<128x16xf32, #tpu.memory_space<vmem>>
    %dma_start3A_6 = arith.constant 0 : i32
    %dma_start3A_7 = tpu.memref_slice %arg5[%dma_start3A, %dma_start3A_6] : memref<4x128xi32, #tpu.memory_space<vmem>> -> memref<1x128xi32, #tpu.memory_space<vmem>>
    %dma_start3A_8 = tpu.memref_squeeze %dma_start3A_7 : memref<1x128xi32, #tpu.memory_space<vmem>> -> memref<128xi32, #tpu.memory_space<vmem>>
    %dma_start3A_9 = arith.constant 0 : i32
    %dma_start3A_10 = arith.constant 0 : i32
    %dma_start3A_11 = tpu.memref_slice %arg3[%dma_start3A_9, %dma_start3A_10] : memref<100000x16xf32, #tpu.memory_space<hbm>> -> memref<100000x16xf32, #tpu.memory_space<hbm>>
    tpu.enqueue_indirect_dma source(%dma_start3A_11 : memref<100000x16xf32, #tpu.memory_space<hbm>>) target(%dma_start3A_5 : memref<128x16xf32, #tpu.memory_space<vmem>>) offsets(%dma_start3A_8 : memref<128xi32, #tpu.memory_space<vmem>>) semaphore(%arg7 : memref<!tpu.dma_semaphore, #tpu.memory_space<semaphore_mem>>)
    %dma_start3A_12 = arith.constant 1 : i32
    %dma_start3A_13 = arith.constant 128 : i32
    %dma_start3A_14 = arith.constant 0 : i32
    %dma_start3A_15 = tpu.memref_slice %arg6[%dma_start3A_13, %dma_start3A_14] : memref<512x16xf32, #tpu.memory_space<vmem>> -> memref<128x16xf32, #tpu.memory_space<vmem>>
    %dma_start3A_16 = arith.constant 0 : i32
    %dma_start3A_17 = tpu.memref_slice %arg5[%dma_start3A_12, %dma_start3A_16] : memref<4x128xi32, #tpu.memory_space<vmem>> -> memref<1x128xi32, #tpu.memory_space<vmem>>
    %dma_start3A_18 = tpu.memref_squeeze %dma_start3A_17 : memref<1x128xi32, #tpu.memory_space<vmem>> -> memref<128xi32, #tpu.memory_space<vmem>>
    %dma_start3A_19 = arith.constant 0 : i32
    %dma_start3A_20 = arith.constant 0 : i32
    %dma_start3A_21 = tpu.memref_slice %arg3[%dma_start3A_19, %dma_start3A_20] : memref<100000x16xf32, #tpu.memory_space<hbm>> -> memref<100000x16xf32, #tpu.memory_space<hbm>>
    tpu.enqueue_indirect_dma source(%dma_start3A_21 : memref<100000x16xf32, #tpu.memory_space<hbm>>) target(%dma_start3A_15 : memref<128x16xf32, #tpu.memory_space<vmem>>) offsets(%dma_start3A_18 : memref<128xi32, #tpu.memory_space<vmem>>) semaphore(%arg7 : memref<!tpu.dma_semaphore, #tpu.memory_space<semaphore_mem>>)
    %dma_start3A_22 = arith.constant 2 : i32
    %dma_start3A_23 = arith.constant 256 : i32
    %dma_start3A_24 = arith.constant 0 : i32
    %dma_start3A_25 = tpu.memref_slice %arg6[%dma_start3A_23, %dma_start3A_24] : memref<512x16xf32, #tpu.memory_space<vmem>> -> memref<128x16xf32, #tpu.memory_space<vmem>>
    %dma_start3A_26 = arith.constant 0 : i32
    %dma_start3A_27 = tpu.memref_slice %arg5[%dma_start3A_22, %dma_start3A_26] : memref<4x128xi32, #tpu.memory_space<vmem>> -> memref<1x128xi32, #tpu.memory_space<vmem>>
    %dma_start3A_28 = tpu.memref_squeeze %dma_start3A_27 : memref<1x128xi32, #tpu.memory_space<vmem>> -> memref<128xi32, #tpu.memory_space<vmem>>
    %dma_start3A_29 = arith.constant 0 : i32
    %dma_start3A_30 = arith.constant 0 : i32
    %dma_start3A_31 = tpu.memref_slice %arg3[%dma_start3A_29, %dma_start3A_30] : memref<100000x16xf32, #tpu.memory_space<hbm>> -> memref<100000x16xf32, #tpu.memory_space<hbm>>
    tpu.enqueue_indirect_dma source(%dma_start3A_31 : memref<100000x16xf32, #tpu.memory_space<hbm>>) target(%dma_start3A_25 : memref<128x16xf32, #tpu.memory_space<vmem>>) offsets(%dma_start3A_28 : memref<128xi32, #tpu.memory_space<vmem>>) semaphore(%arg7 : memref<!tpu.dma_semaphore, #tpu.memory_space<semaphore_mem>>)
    %dma_start3A_32 = arith.constant 3 : i32
    %dma_start3A_33 = arith.constant 384 : i32
    %dma_start3A_34 = arith.constant 0 : i32
    %dma_start3A_35 = tpu.memref_slice %arg6[%dma_start3A_33, %dma_start3A_34] : memref<512x16xf32, #tpu.memory_space<vmem>> -> memref<128x16xf32, #tpu.memory_space<vmem>>
    %dma_start3A_36 = arith.constant 0 : i32
    %dma_start3A_37 = tpu.memref_slice %arg5[%dma_start3A_32, %dma_start3A_36] : memref<4x128xi32, #tpu.memory_space<vmem>> -> memref<1x128xi32, #tpu.memory_space<vmem>>
    %dma_start3A_38 = tpu.memref_squeeze %dma_start3A_37 : memref<1x128xi32, #tpu.memory_space<vmem>> -> memref<128xi32, #tpu.memory_space<vmem>>
    %dma_start3A_39 = arith.constant 0 : i32
    %dma_start3A_40 = arith.constant 0 : i32
    %dma_start3A_41 = tpu.memref_slice %arg3[%dma_start3A_39, %dma_start3A_40] : memref<100000x16xf32, #tpu.memory_space<hbm>> -> memref<100000x16xf32, #tpu.memory_space<hbm>>
    tpu.enqueue_indirect_dma source(%dma_start3A_41 : memref<100000x16xf32, #tpu.memory_space<hbm>>) target(%dma_start3A_35 : memref<128x16xf32, #tpu.memory_space<vmem>>) offsets(%dma_start3A_38 : memref<128xi32, #tpu.memory_space<vmem>>) semaphore(%arg7 : memref<!tpu.dma_semaphore, #tpu.memory_space<semaphore_mem>>)
    %dma_wait3A = arith.constant 0 : i32
    %dma_wait3A_42 = arith.constant 0 : i32
    %dma_wait3A_43 = arith.constant 0 : i32
    %dma_wait3A_44 = tpu.memref_slice %arg6[%dma_wait3A_42, %dma_wait3A_43] : memref<512x16xf32, #tpu.memory_space<vmem>> -> memref<128x16xf32, #tpu.memory_space<vmem>>
    %dma_wait3A_45 = arith.constant 0 : i32
    %dma_wait3A_46 = tpu.memref_slice %arg5[%dma_wait3A, %dma_wait3A_45] : memref<4x128xi32, #tpu.memory_space<vmem>> -> memref<1x128xi32, #tpu.memory_space<vmem>>
    %dma_wait3A_47 = tpu.memref_squeeze %dma_wait3A_46 : memref<1x128xi32, #tpu.memory_space<vmem>> -> memref<128xi32, #tpu.memory_space<vmem>>
    %dma_wait3A_48 = arith.constant 0 : i32
    %dma_wait3A_49 = arith.constant 0 : i32
    %dma_wait3A_50 = tpu.memref_slice %arg3[%dma_wait3A_48, %dma_wait3A_49] : memref<100000x16xf32, #tpu.memory_space<hbm>> -> memref<100000x16xf32, #tpu.memory_space<hbm>>
    tpu.wait_indirect_dma semaphore(%arg7 : memref<!tpu.dma_semaphore, #tpu.memory_space<semaphore_mem>>) src(%dma_wait3A_50 : memref<100000x16xf32, #tpu.memory_space<hbm>>) dst(%dma_wait3A_44 : memref<128x16xf32, #tpu.memory_space<vmem>>)
    %dma_wait3A_51 = arith.constant 1 : i32
    %dma_wait3A_52 = arith.constant 128 : i32
    %dma_wait3A_53 = arith.constant 0 : i32
    %dma_wait3A_54 = tpu.memref_slice %arg6[%dma_wait3A_52, %dma_wait3A_53] : memref<512x16xf32, #tpu.memory_space<vmem>> -> memref<128x16xf32, #tpu.memory_space<vmem>>
    %dma_wait3A_55 = arith.constant 0 : i32
    %dma_wait3A_56 = tpu.memref_slice %arg5[%dma_wait3A_51, %dma_wait3A_55] : memref<4x128xi32, #tpu.memory_space<vmem>> -> memref<1x128xi32, #tpu.memory_space<vmem>>
    %dma_wait3A_57 = tpu.memref_squeeze %dma_wait3A_56 : memref<1x128xi32, #tpu.memory_space<vmem>> -> memref<128xi32, #tpu.memory_space<vmem>>
    %dma_wait3A_58 = arith.constant 0 : i32
    %dma_wait3A_59 = arith.constant 0 : i32
    %dma_wait3A_60 = tpu.memref_slice %arg3[%dma_wait3A_58, %dma_wait3A_59] : memref<100000x16xf32, #tpu.memory_space<hbm>> -> memref<100000x16xf32, #tpu.memory_space<hbm>>
    tpu.wait_indirect_dma semaphore(%arg7 : memref<!tpu.dma_semaphore, #tpu.memory_space<semaphore_mem>>) src(%dma_wait3A_60 : memref<100000x16xf32, #tpu.memory_space<hbm>>) dst(%dma_wait3A_54 : memref<128x16xf32, #tpu.memory_space<vmem>>)
    %dma_wait3A_61 = arith.constant 2 : i32
    %dma_wait3A_62 = arith.constant 256 : i32
    %dma_wait3A_63 = arith.constant 0 : i32
    %dma_wait3A_64 = tpu.memref_slice %arg6[%dma_wait3A_62, %dma_wait3A_63] : memref<512x16xf32, #tpu.memory_space<vmem>> -> memref<128x16xf32, #tpu.memory_space<vmem>>
    %dma_wait3A_65 = arith.constant 0 : i32
    %dma_wait3A_66 = tpu.memref_slice %arg5[%dma_wait3A_61, %dma_wait3A_65] : memref<4x128xi32, #tpu.memory_space<vmem>> -> memref<1x128xi32, #tpu.memory_space<vmem>>
    %dma_wait3A_67 = tpu.memref_squeeze %dma_wait3A_66 : memref<1x128xi32, #tpu.memory_space<vmem>> -> memref<128xi32, #tpu.memory_space<vmem>>
    %dma_wait3A_68 = arith.constant 0 : i32
    %dma_wait3A_69 = arith.constant 0 : i32
    %dma_wait3A_70 = tpu.memref_slice %arg3[%dma_wait3A_68, %dma_wait3A_69] : memref<100000x16xf32, #tpu.memory_space<hbm>> -> memref<100000x16xf32, #tpu.memory_space<hbm>>
    tpu.wait_indirect_dma semaphore(%arg7 : memref<!tpu.dma_semaphore, #tpu.memory_space<semaphore_mem>>) src(%dma_wait3A_70 : memref<100000x16xf32, #tpu.memory_space<hbm>>) dst(%dma_wait3A_64 : memref<128x16xf32, #tpu.memory_space<vmem>>)
    %dma_wait3A_71 = arith.constant 3 : i32
    %dma_wait3A_72 = arith.constant 384 : i32
    %dma_wait3A_73 = arith.constant 0 : i32
    %dma_wait3A_74 = tpu.memref_slice %arg6[%dma_wait3A_72, %dma_wait3A_73] : memref<512x16xf32, #tpu.memory_space<vmem>> -> memref<128x16xf32, #tpu.memory_space<vmem>>
    %dma_wait3A_75 = arith.constant 0 : i32
    %dma_wait3A_76 = tpu.memref_slice %arg5[%dma_wait3A_71, %dma_wait3A_75] : memref<4x128xi32, #tpu.memory_space<vmem>> -> memref<1x128xi32, #tpu.memory_space<vmem>>
    %dma_wait3A_77 = tpu.memref_squeeze %dma_wait3A_76 : memref<1x128xi32, #tpu.memory_space<vmem>> -> memref<128xi32, #tpu.memory_space<vmem>>
    %dma_wait3A_78 = arith.constant 0 : i32
    %dma_wait3A_79 = arith.constant 0 : i32
    %dma_wait3A_80 = tpu.memref_slice %arg3[%dma_wait3A_78, %dma_wait3A_79] : memref<100000x16xf32, #tpu.memory_space<hbm>> -> memref<100000x16xf32, #tpu.memory_space<hbm>>
    tpu.wait_indirect_dma semaphore(%arg7 : memref<!tpu.dma_semaphore, #tpu.memory_space<semaphore_mem>>) src(%dma_wait3A_80 : memref<100000x16xf32, #tpu.memory_space<hbm>>) dst(%dma_wait3A_74 : memref<128x16xf32, #tpu.memory_space<vmem>>)
    "tpu.region"() ({
      %run_scoped3A = tpu.sem_alloc : memref<!tpu.dma_semaphore, #tpu.memory_space<semaphore_mem>>
      %dma_start3A_81 = arith.constant 0 : i32
      %dma_start3A_82 = tpu.memref_slice %arg4[%mul3A_2, %dma_start3A_81] : memref<16384x16xf32, #tpu.memory_space<hbm>> -> memref<512x16xf32, #tpu.memory_space<hbm>>
      %dma_start3A_83 = arith.constant 0 : i32
      %dma_start3A_84 = tpu.memref_slice %arg4[%mul3A_2, %dma_start3A_83] : memref<16384x16xf32, #tpu.memory_space<hbm>> -> memref<512x16xf32, #tpu.memory_space<hbm>>
      tpu.enqueue_dma source(%arg6 : memref<512x16xf32, #tpu.memory_space<vmem>>) target(%dma_start3A_84 : memref<512x16xf32, #tpu.memory_space<hbm>>) target_semaphore(%run_scoped3A : memref<!tpu.dma_semaphore, #tpu.memory_space<semaphore_mem>>)
      %dma_wait3A_85 = arith.constant 0 : i32
      %dma_wait3A_86 = tpu.memref_slice %arg4[%mul3A_2, %dma_wait3A_85] : memref<16384x16xf32, #tpu.memory_space<hbm>> -> memref<512x16xf32, #tpu.memory_space<hbm>>
      %dma_wait3A_87 = arith.constant 0 : i32
      %dma_wait3A_88 = tpu.memref_slice %arg4[%mul3A_2, %dma_wait3A_87] : memref<16384x16xf32, #tpu.memory_space<hbm>> -> memref<512x16xf32, #tpu.memory_space<hbm>>
      tpu.wait_dma2 semaphore(%run_scoped3A : memref<!tpu.dma_semaphore, #tpu.memory_space<semaphore_mem>>) src(%arg6 : memref<512x16xf32, #tpu.memory_space<vmem>>) dst(%dma_wait3A_88 : memref<512x16xf32, #tpu.memory_space<hbm>>)
      tpu.yield
    }) : () -> ()
    return
  }
}

module attributes {stable_mosaic.version = 14 : i64} {
  func.func @body(%arg0: i32, %arg1: memref<16384xi32, #tpu.memory_space<smem>>, %arg2: memref<1000000x16xf32, #tpu.memory_space<any>>, %arg3: memref<2048x16xf32, #tpu.memory_space<vmem>>, %arg4: memref<2048x64xf32, #tpu.memory_space<vmem>>, %arg5: memref<16x128xf32, #tpu.memory_space<vmem>>, %arg6: memref<16x128xf32, #tpu.memory_space<vmem>>, %arg7: memref<64x128xf32, #tpu.memory_space<vmem>>, %arg8: memref<1x128xf32, #tpu.memory_space<vmem>>, %arg9: memref<128x128xf32, #tpu.memory_space<vmem>>, %arg10: memref<1x128xf32, #tpu.memory_space<vmem>>, %arg11: memref<128x1xf32, #tpu.memory_space<vmem>>, %arg12: memref<1x1xf32, #tpu.memory_space<vmem>>, %arg13: memref<2048x1xf32, #tpu.memory_space<vmem>>, %arg14: memref<2048x16xf32, #tpu.memory_space<vmem>>, %arg15: memref<!tpu.dma_semaphore, #tpu.memory_space<semaphore_mem>>) attributes {dimension_semantics = [#tpu.dimension_semantics<arbitrary>], iteration_bounds = array<i64: 8>, scalar_prefetch = 1 : i64, scratch_operands = 2 : i64, tpu.core_type = #tpu.core_type<tc>, window_params = [{}, {transform_indices = @transform_1, window_bounds = array<i64: 2048, 16>}, {transform_indices = @transform_2, window_bounds = array<i64: 2048, 64>}, {pipeline_mode = #tpu.pipeline_mode<synchronous>, transform_indices = @transform_3, window_bounds = array<i64: 16, 128>}, {pipeline_mode = #tpu.pipeline_mode<synchronous>, transform_indices = @transform_4, window_bounds = array<i64: 16, 128>}, {pipeline_mode = #tpu.pipeline_mode<synchronous>, transform_indices = @transform_5, window_bounds = array<i64: 64, 128>}, {pipeline_mode = #tpu.pipeline_mode<synchronous>, transform_indices = @transform_6, window_bounds = array<i64: 1, 128>}, {pipeline_mode = #tpu.pipeline_mode<synchronous>, transform_indices = @transform_7, window_bounds = array<i64: 128, 128>}, {pipeline_mode = #tpu.pipeline_mode<synchronous>, transform_indices = @transform_8, window_bounds = array<i64: 1, 128>}, {pipeline_mode = #tpu.pipeline_mode<synchronous>, transform_indices = @transform_9, window_bounds = array<i64: 128, 1>}, {pipeline_mode = #tpu.pipeline_mode<synchronous>, transform_indices = @transform_10, window_bounds = array<i64: 1, 1>}, {transform_indices = @transform_11, window_bounds = array<i64: 2048, 1>}]} {
    %mul3A = arith.constant 2048 : i32
    %mul3A_0 = arith.muli %arg0, %mul3A : i32
    %scan3A = arith.constant 0 : i32
    %scan3A_1 = arith.constant 2048 : i32
    %scan3A_2 = arith.addi %scan3A, %scan3A_1 : i32
    %scan3A_3 = arith.constant 16 : i32
    scf.for %scan3A_62 = %scan3A to %scan3A_2 step %scan3A_3  : i32 {
      %add3A_63 = arith.addi %mul3A_0, %scan3A_62 : i32
      %get3A_64 = arith.index_cast %add3A_63 : i32 to index
      %get3A_65 = memref.load %arg1[%get3A_64] : memref<16384xi32, #tpu.memory_space<smem>>
      %dma_start3A = arith.constant 0 : i32
      %dma_start3A_66 = tpu.memref_slice %arg14[%scan3A_62, %dma_start3A] : memref<2048x16xf32, #tpu.memory_space<vmem>> -> memref<1x16xf32, #tpu.memory_space<vmem>>
      %dma_start3A_67 = arith.constant 0 : i32
      %dma_start3A_68 = tpu.memref_slice %arg2[%get3A_65, %dma_start3A_67] : memref<1000000x16xf32, #tpu.memory_space<any>> -> memref<1x16xf32, #tpu.memory_space<any>>
      tpu.enqueue_dma source(%dma_start3A_68 : memref<1x16xf32, #tpu.memory_space<any>>) target(%dma_start3A_66 : memref<1x16xf32, #tpu.memory_space<vmem>>) target_semaphore(%arg15 : memref<!tpu.dma_semaphore, #tpu.memory_space<semaphore_mem>>)
      %scan3A_69 = arith.constant 1 : i32
      %scan3A_70 = arith.addi %scan3A_62, %scan3A_69 : i32
      %add3A_71 = arith.addi %mul3A_0, %scan3A_70 : i32
      %get3A_72 = arith.index_cast %add3A_71 : i32 to index
      %get3A_73 = memref.load %arg1[%get3A_72] : memref<16384xi32, #tpu.memory_space<smem>>
      %dma_start3A_74 = arith.constant 0 : i32
      %dma_start3A_75 = tpu.memref_slice %arg14[%scan3A_70, %dma_start3A_74] : memref<2048x16xf32, #tpu.memory_space<vmem>> -> memref<1x16xf32, #tpu.memory_space<vmem>>
      %dma_start3A_76 = arith.constant 0 : i32
      %dma_start3A_77 = tpu.memref_slice %arg2[%get3A_73, %dma_start3A_76] : memref<1000000x16xf32, #tpu.memory_space<any>> -> memref<1x16xf32, #tpu.memory_space<any>>
      tpu.enqueue_dma source(%dma_start3A_77 : memref<1x16xf32, #tpu.memory_space<any>>) target(%dma_start3A_75 : memref<1x16xf32, #tpu.memory_space<vmem>>) target_semaphore(%arg15 : memref<!tpu.dma_semaphore, #tpu.memory_space<semaphore_mem>>)
      %scan3A_78 = arith.constant 2 : i32
      %scan3A_79 = arith.addi %scan3A_62, %scan3A_78 : i32
      %add3A_80 = arith.addi %mul3A_0, %scan3A_79 : i32
      %get3A_81 = arith.index_cast %add3A_80 : i32 to index
      %get3A_82 = memref.load %arg1[%get3A_81] : memref<16384xi32, #tpu.memory_space<smem>>
      %dma_start3A_83 = arith.constant 0 : i32
      %dma_start3A_84 = tpu.memref_slice %arg14[%scan3A_79, %dma_start3A_83] : memref<2048x16xf32, #tpu.memory_space<vmem>> -> memref<1x16xf32, #tpu.memory_space<vmem>>
      %dma_start3A_85 = arith.constant 0 : i32
      %dma_start3A_86 = tpu.memref_slice %arg2[%get3A_82, %dma_start3A_85] : memref<1000000x16xf32, #tpu.memory_space<any>> -> memref<1x16xf32, #tpu.memory_space<any>>
      tpu.enqueue_dma source(%dma_start3A_86 : memref<1x16xf32, #tpu.memory_space<any>>) target(%dma_start3A_84 : memref<1x16xf32, #tpu.memory_space<vmem>>) target_semaphore(%arg15 : memref<!tpu.dma_semaphore, #tpu.memory_space<semaphore_mem>>)
      %scan3A_87 = arith.constant 3 : i32
      %scan3A_88 = arith.addi %scan3A_62, %scan3A_87 : i32
      %add3A_89 = arith.addi %mul3A_0, %scan3A_88 : i32
      %get3A_90 = arith.index_cast %add3A_89 : i32 to index
      %get3A_91 = memref.load %arg1[%get3A_90] : memref<16384xi32, #tpu.memory_space<smem>>
      %dma_start3A_92 = arith.constant 0 : i32
      %dma_start3A_93 = tpu.memref_slice %arg14[%scan3A_88, %dma_start3A_92] : memref<2048x16xf32, #tpu.memory_space<vmem>> -> memref<1x16xf32, #tpu.memory_space<vmem>>
      %dma_start3A_94 = arith.constant 0 : i32
      %dma_start3A_95 = tpu.memref_slice %arg2[%get3A_91, %dma_start3A_94] : memref<1000000x16xf32, #tpu.memory_space<any>> -> memref<1x16xf32, #tpu.memory_space<any>>
      tpu.enqueue_dma source(%dma_start3A_95 : memref<1x16xf32, #tpu.memory_space<any>>) target(%dma_start3A_93 : memref<1x16xf32, #tpu.memory_space<vmem>>) target_semaphore(%arg15 : memref<!tpu.dma_semaphore, #tpu.memory_space<semaphore_mem>>)
      %scan3A_96 = arith.constant 4 : i32
      %scan3A_97 = arith.addi %scan3A_62, %scan3A_96 : i32
      %add3A_98 = arith.addi %mul3A_0, %scan3A_97 : i32
      %get3A_99 = arith.index_cast %add3A_98 : i32 to index
      %get3A_100 = memref.load %arg1[%get3A_99] : memref<16384xi32, #tpu.memory_space<smem>>
      %dma_start3A_101 = arith.constant 0 : i32
      %dma_start3A_102 = tpu.memref_slice %arg14[%scan3A_97, %dma_start3A_101] : memref<2048x16xf32, #tpu.memory_space<vmem>> -> memref<1x16xf32, #tpu.memory_space<vmem>>
      %dma_start3A_103 = arith.constant 0 : i32
      %dma_start3A_104 = tpu.memref_slice %arg2[%get3A_100, %dma_start3A_103] : memref<1000000x16xf32, #tpu.memory_space<any>> -> memref<1x16xf32, #tpu.memory_space<any>>
      tpu.enqueue_dma source(%dma_start3A_104 : memref<1x16xf32, #tpu.memory_space<any>>) target(%dma_start3A_102 : memref<1x16xf32, #tpu.memory_space<vmem>>) target_semaphore(%arg15 : memref<!tpu.dma_semaphore, #tpu.memory_space<semaphore_mem>>)
      %scan3A_105 = arith.constant 5 : i32
      %scan3A_106 = arith.addi %scan3A_62, %scan3A_105 : i32
      %add3A_107 = arith.addi %mul3A_0, %scan3A_106 : i32
      %get3A_108 = arith.index_cast %add3A_107 : i32 to index
      %get3A_109 = memref.load %arg1[%get3A_108] : memref<16384xi32, #tpu.memory_space<smem>>
      %dma_start3A_110 = arith.constant 0 : i32
      %dma_start3A_111 = tpu.memref_slice %arg14[%scan3A_106, %dma_start3A_110] : memref<2048x16xf32, #tpu.memory_space<vmem>> -> memref<1x16xf32, #tpu.memory_space<vmem>>
      %dma_start3A_112 = arith.constant 0 : i32
      %dma_start3A_113 = tpu.memref_slice %arg2[%get3A_109, %dma_start3A_112] : memref<1000000x16xf32, #tpu.memory_space<any>> -> memref<1x16xf32, #tpu.memory_space<any>>
      tpu.enqueue_dma source(%dma_start3A_113 : memref<1x16xf32, #tpu.memory_space<any>>) target(%dma_start3A_111 : memref<1x16xf32, #tpu.memory_space<vmem>>) target_semaphore(%arg15 : memref<!tpu.dma_semaphore, #tpu.memory_space<semaphore_mem>>)
      %scan3A_114 = arith.constant 6 : i32
      %scan3A_115 = arith.addi %scan3A_62, %scan3A_114 : i32
      %add3A_116 = arith.addi %mul3A_0, %scan3A_115 : i32
      %get3A_117 = arith.index_cast %add3A_116 : i32 to index
      %get3A_118 = memref.load %arg1[%get3A_117] : memref<16384xi32, #tpu.memory_space<smem>>
      %dma_start3A_119 = arith.constant 0 : i32
      %dma_start3A_120 = tpu.memref_slice %arg14[%scan3A_115, %dma_start3A_119] : memref<2048x16xf32, #tpu.memory_space<vmem>> -> memref<1x16xf32, #tpu.memory_space<vmem>>
      %dma_start3A_121 = arith.constant 0 : i32
      %dma_start3A_122 = tpu.memref_slice %arg2[%get3A_118, %dma_start3A_121] : memref<1000000x16xf32, #tpu.memory_space<any>> -> memref<1x16xf32, #tpu.memory_space<any>>
      tpu.enqueue_dma source(%dma_start3A_122 : memref<1x16xf32, #tpu.memory_space<any>>) target(%dma_start3A_120 : memref<1x16xf32, #tpu.memory_space<vmem>>) target_semaphore(%arg15 : memref<!tpu.dma_semaphore, #tpu.memory_space<semaphore_mem>>)
      %scan3A_123 = arith.constant 7 : i32
      %scan3A_124 = arith.addi %scan3A_62, %scan3A_123 : i32
      %add3A_125 = arith.addi %mul3A_0, %scan3A_124 : i32
      %get3A_126 = arith.index_cast %add3A_125 : i32 to index
      %get3A_127 = memref.load %arg1[%get3A_126] : memref<16384xi32, #tpu.memory_space<smem>>
      %dma_start3A_128 = arith.constant 0 : i32
      %dma_start3A_129 = tpu.memref_slice %arg14[%scan3A_124, %dma_start3A_128] : memref<2048x16xf32, #tpu.memory_space<vmem>> -> memref<1x16xf32, #tpu.memory_space<vmem>>
      %dma_start3A_130 = arith.constant 0 : i32
      %dma_start3A_131 = tpu.memref_slice %arg2[%get3A_127, %dma_start3A_130] : memref<1000000x16xf32, #tpu.memory_space<any>> -> memref<1x16xf32, #tpu.memory_space<any>>
      tpu.enqueue_dma source(%dma_start3A_131 : memref<1x16xf32, #tpu.memory_space<any>>) target(%dma_start3A_129 : memref<1x16xf32, #tpu.memory_space<vmem>>) target_semaphore(%arg15 : memref<!tpu.dma_semaphore, #tpu.memory_space<semaphore_mem>>)
      %scan3A_132 = arith.constant 8 : i32
      %scan3A_133 = arith.addi %scan3A_62, %scan3A_132 : i32
      %add3A_134 = arith.addi %mul3A_0, %scan3A_133 : i32
      %get3A_135 = arith.index_cast %add3A_134 : i32 to index
      %get3A_136 = memref.load %arg1[%get3A_135] : memref<16384xi32, #tpu.memory_space<smem>>
      %dma_start3A_137 = arith.constant 0 : i32
      %dma_start3A_138 = tpu.memref_slice %arg14[%scan3A_133, %dma_start3A_137] : memref<2048x16xf32, #tpu.memory_space<vmem>> -> memref<1x16xf32, #tpu.memory_space<vmem>>
      %dma_start3A_139 = arith.constant 0 : i32
      %dma_start3A_140 = tpu.memref_slice %arg2[%get3A_136, %dma_start3A_139] : memref<1000000x16xf32, #tpu.memory_space<any>> -> memref<1x16xf32, #tpu.memory_space<any>>
      tpu.enqueue_dma source(%dma_start3A_140 : memref<1x16xf32, #tpu.memory_space<any>>) target(%dma_start3A_138 : memref<1x16xf32, #tpu.memory_space<vmem>>) target_semaphore(%arg15 : memref<!tpu.dma_semaphore, #tpu.memory_space<semaphore_mem>>)
      %scan3A_141 = arith.constant 9 : i32
      %scan3A_142 = arith.addi %scan3A_62, %scan3A_141 : i32
      %add3A_143 = arith.addi %mul3A_0, %scan3A_142 : i32
      %get3A_144 = arith.index_cast %add3A_143 : i32 to index
      %get3A_145 = memref.load %arg1[%get3A_144] : memref<16384xi32, #tpu.memory_space<smem>>
      %dma_start3A_146 = arith.constant 0 : i32
      %dma_start3A_147 = tpu.memref_slice %arg14[%scan3A_142, %dma_start3A_146] : memref<2048x16xf32, #tpu.memory_space<vmem>> -> memref<1x16xf32, #tpu.memory_space<vmem>>
      %dma_start3A_148 = arith.constant 0 : i32
      %dma_start3A_149 = tpu.memref_slice %arg2[%get3A_145, %dma_start3A_148] : memref<1000000x16xf32, #tpu.memory_space<any>> -> memref<1x16xf32, #tpu.memory_space<any>>
      tpu.enqueue_dma source(%dma_start3A_149 : memref<1x16xf32, #tpu.memory_space<any>>) target(%dma_start3A_147 : memref<1x16xf32, #tpu.memory_space<vmem>>) target_semaphore(%arg15 : memref<!tpu.dma_semaphore, #tpu.memory_space<semaphore_mem>>)
      %scan3A_150 = arith.constant 10 : i32
      %scan3A_151 = arith.addi %scan3A_62, %scan3A_150 : i32
      %add3A_152 = arith.addi %mul3A_0, %scan3A_151 : i32
      %get3A_153 = arith.index_cast %add3A_152 : i32 to index
      %get3A_154 = memref.load %arg1[%get3A_153] : memref<16384xi32, #tpu.memory_space<smem>>
      %dma_start3A_155 = arith.constant 0 : i32
      %dma_start3A_156 = tpu.memref_slice %arg14[%scan3A_151, %dma_start3A_155] : memref<2048x16xf32, #tpu.memory_space<vmem>> -> memref<1x16xf32, #tpu.memory_space<vmem>>
      %dma_start3A_157 = arith.constant 0 : i32
      %dma_start3A_158 = tpu.memref_slice %arg2[%get3A_154, %dma_start3A_157] : memref<1000000x16xf32, #tpu.memory_space<any>> -> memref<1x16xf32, #tpu.memory_space<any>>
      tpu.enqueue_dma source(%dma_start3A_158 : memref<1x16xf32, #tpu.memory_space<any>>) target(%dma_start3A_156 : memref<1x16xf32, #tpu.memory_space<vmem>>) target_semaphore(%arg15 : memref<!tpu.dma_semaphore, #tpu.memory_space<semaphore_mem>>)
      %scan3A_159 = arith.constant 11 : i32
      %scan3A_160 = arith.addi %scan3A_62, %scan3A_159 : i32
      %add3A_161 = arith.addi %mul3A_0, %scan3A_160 : i32
      %get3A_162 = arith.index_cast %add3A_161 : i32 to index
      %get3A_163 = memref.load %arg1[%get3A_162] : memref<16384xi32, #tpu.memory_space<smem>>
      %dma_start3A_164 = arith.constant 0 : i32
      %dma_start3A_165 = tpu.memref_slice %arg14[%scan3A_160, %dma_start3A_164] : memref<2048x16xf32, #tpu.memory_space<vmem>> -> memref<1x16xf32, #tpu.memory_space<vmem>>
      %dma_start3A_166 = arith.constant 0 : i32
      %dma_start3A_167 = tpu.memref_slice %arg2[%get3A_163, %dma_start3A_166] : memref<1000000x16xf32, #tpu.memory_space<any>> -> memref<1x16xf32, #tpu.memory_space<any>>
      tpu.enqueue_dma source(%dma_start3A_167 : memref<1x16xf32, #tpu.memory_space<any>>) target(%dma_start3A_165 : memref<1x16xf32, #tpu.memory_space<vmem>>) target_semaphore(%arg15 : memref<!tpu.dma_semaphore, #tpu.memory_space<semaphore_mem>>)
      %scan3A_168 = arith.constant 12 : i32
      %scan3A_169 = arith.addi %scan3A_62, %scan3A_168 : i32
      %add3A_170 = arith.addi %mul3A_0, %scan3A_169 : i32
      %get3A_171 = arith.index_cast %add3A_170 : i32 to index
      %get3A_172 = memref.load %arg1[%get3A_171] : memref<16384xi32, #tpu.memory_space<smem>>
      %dma_start3A_173 = arith.constant 0 : i32
      %dma_start3A_174 = tpu.memref_slice %arg14[%scan3A_169, %dma_start3A_173] : memref<2048x16xf32, #tpu.memory_space<vmem>> -> memref<1x16xf32, #tpu.memory_space<vmem>>
      %dma_start3A_175 = arith.constant 0 : i32
      %dma_start3A_176 = tpu.memref_slice %arg2[%get3A_172, %dma_start3A_175] : memref<1000000x16xf32, #tpu.memory_space<any>> -> memref<1x16xf32, #tpu.memory_space<any>>
      tpu.enqueue_dma source(%dma_start3A_176 : memref<1x16xf32, #tpu.memory_space<any>>) target(%dma_start3A_174 : memref<1x16xf32, #tpu.memory_space<vmem>>) target_semaphore(%arg15 : memref<!tpu.dma_semaphore, #tpu.memory_space<semaphore_mem>>)
      %scan3A_177 = arith.constant 13 : i32
      %scan3A_178 = arith.addi %scan3A_62, %scan3A_177 : i32
      %add3A_179 = arith.addi %mul3A_0, %scan3A_178 : i32
      %get3A_180 = arith.index_cast %add3A_179 : i32 to index
      %get3A_181 = memref.load %arg1[%get3A_180] : memref<16384xi32, #tpu.memory_space<smem>>
      %dma_start3A_182 = arith.constant 0 : i32
      %dma_start3A_183 = tpu.memref_slice %arg14[%scan3A_178, %dma_start3A_182] : memref<2048x16xf32, #tpu.memory_space<vmem>> -> memref<1x16xf32, #tpu.memory_space<vmem>>
      %dma_start3A_184 = arith.constant 0 : i32
      %dma_start3A_185 = tpu.memref_slice %arg2[%get3A_181, %dma_start3A_184] : memref<1000000x16xf32, #tpu.memory_space<any>> -> memref<1x16xf32, #tpu.memory_space<any>>
      tpu.enqueue_dma source(%dma_start3A_185 : memref<1x16xf32, #tpu.memory_space<any>>) target(%dma_start3A_183 : memref<1x16xf32, #tpu.memory_space<vmem>>) target_semaphore(%arg15 : memref<!tpu.dma_semaphore, #tpu.memory_space<semaphore_mem>>)
      %scan3A_186 = arith.constant 14 : i32
      %scan3A_187 = arith.addi %scan3A_62, %scan3A_186 : i32
      %add3A_188 = arith.addi %mul3A_0, %scan3A_187 : i32
      %get3A_189 = arith.index_cast %add3A_188 : i32 to index
      %get3A_190 = memref.load %arg1[%get3A_189] : memref<16384xi32, #tpu.memory_space<smem>>
      %dma_start3A_191 = arith.constant 0 : i32
      %dma_start3A_192 = tpu.memref_slice %arg14[%scan3A_187, %dma_start3A_191] : memref<2048x16xf32, #tpu.memory_space<vmem>> -> memref<1x16xf32, #tpu.memory_space<vmem>>
      %dma_start3A_193 = arith.constant 0 : i32
      %dma_start3A_194 = tpu.memref_slice %arg2[%get3A_190, %dma_start3A_193] : memref<1000000x16xf32, #tpu.memory_space<any>> -> memref<1x16xf32, #tpu.memory_space<any>>
      tpu.enqueue_dma source(%dma_start3A_194 : memref<1x16xf32, #tpu.memory_space<any>>) target(%dma_start3A_192 : memref<1x16xf32, #tpu.memory_space<vmem>>) target_semaphore(%arg15 : memref<!tpu.dma_semaphore, #tpu.memory_space<semaphore_mem>>)
      %scan3A_195 = arith.constant 15 : i32
      %scan3A_196 = arith.addi %scan3A_62, %scan3A_195 : i32
      %add3A_197 = arith.addi %mul3A_0, %scan3A_196 : i32
      %get3A_198 = arith.index_cast %add3A_197 : i32 to index
      %get3A_199 = memref.load %arg1[%get3A_198] : memref<16384xi32, #tpu.memory_space<smem>>
      %dma_start3A_200 = arith.constant 0 : i32
      %dma_start3A_201 = tpu.memref_slice %arg14[%scan3A_196, %dma_start3A_200] : memref<2048x16xf32, #tpu.memory_space<vmem>> -> memref<1x16xf32, #tpu.memory_space<vmem>>
      %dma_start3A_202 = arith.constant 0 : i32
      %dma_start3A_203 = tpu.memref_slice %arg2[%get3A_199, %dma_start3A_202] : memref<1000000x16xf32, #tpu.memory_space<any>> -> memref<1x16xf32, #tpu.memory_space<any>>
      tpu.enqueue_dma source(%dma_start3A_203 : memref<1x16xf32, #tpu.memory_space<any>>) target(%dma_start3A_201 : memref<1x16xf32, #tpu.memory_space<vmem>>) target_semaphore(%arg15 : memref<!tpu.dma_semaphore, #tpu.memory_space<semaphore_mem>>)
    }
    %scan3A_4 = arith.constant 2048 : i32
    %dma_wait3A = arith.constant 0 : i32
    %dma_wait3A_5 = arith.constant 0 : i32
    %dma_wait3A_6 = tpu.memref_slice %arg2[%dma_wait3A, %dma_wait3A_5] : memref<1000000x16xf32, #tpu.memory_space<any>> -> memref<2048x16xf32, #tpu.memory_space<any>>
    tpu.wait_dma2 semaphore(%arg15 : memref<!tpu.dma_semaphore, #tpu.memory_space<semaphore_mem>>) src(%dma_wait3A_6 : memref<2048x16xf32, #tpu.memory_space<any>>) dst(%arg14 : memref<2048x16xf32, #tpu.memory_space<vmem>>)
    %get3A = arith.constant 0 : index
    %get3A_7 = arith.constant 0 : index
    %get3A_8 = vector.load %arg3[%get3A, %get3A_7] : memref<2048x16xf32, #tpu.memory_space<vmem>>, vector<2048x16xf32>
    %get3A_9 = arith.constant 0 : index
    %get3A_10 = arith.constant 0 : index
    %get3A_11 = vector.load %arg5[%get3A_9, %get3A_10] : memref<16x128xf32, #tpu.memory_space<vmem>>, vector<16x128xf32>
    %dot_general3A = arith.constant dense<0.000000e+00> : vector<2048x128xf32>
    %dot_general3A_12 = tpu.matmul %get3A_8, %get3A_11, %dot_general3A {dimension_numbers = #tpu.dot_dimension_numbers<[1], [0], [0], [1], [0, 0, 1, 1], [], []>, transpose_lhs_hint = false} : vector<2048x16xf32>, vector<16x128xf32>, vector<2048x128xf32> -> vector<2048x128xf32>
    %get3A_13 = arith.constant 0 : index
    %get3A_14 = arith.constant 0 : index
    %get3A_15 = vector.load %arg14[%get3A_13, %get3A_14] : memref<2048x16xf32, #tpu.memory_space<vmem>>, vector<2048x16xf32>
    %get3A_16 = arith.constant 0 : index
    %get3A_17 = arith.constant 0 : index
    %get3A_18 = vector.load %arg6[%get3A_16, %get3A_17] : memref<16x128xf32, #tpu.memory_space<vmem>>, vector<16x128xf32>
    %dot_general3A_19 = arith.constant dense<0.000000e+00> : vector<2048x128xf32>
    %dot_general3A_20 = tpu.matmul %get3A_15, %get3A_18, %dot_general3A_19 {dimension_numbers = #tpu.dot_dimension_numbers<[1], [0], [0], [1], [0, 0, 1, 1], [], []>, transpose_lhs_hint = false} : vector<2048x16xf32>, vector<16x128xf32>, vector<2048x128xf32> -> vector<2048x128xf32>
    %add3A = arith.addf %dot_general3A_12, %dot_general3A_20 : vector<2048x128xf32>
    %get3A_21 = arith.constant 0 : index
    %get3A_22 = arith.constant 0 : index
    %get3A_23 = vector.load %arg4[%get3A_21, %get3A_22] : memref<2048x64xf32, #tpu.memory_space<vmem>>, vector<2048x64xf32>
    %get3A_24 = arith.constant 0 : index
    %get3A_25 = arith.constant 0 : index
    %get3A_26 = vector.load %arg7[%get3A_24, %get3A_25] : memref<64x128xf32, #tpu.memory_space<vmem>>, vector<64x128xf32>
    %dot_general3A_27 = arith.constant dense<0.000000e+00> : vector<2048x128xf32>
    %dot_general3A_28 = tpu.matmul %get3A_23, %get3A_26, %dot_general3A_27 {dimension_numbers = #tpu.dot_dimension_numbers<[1], [0], [0], [1], [0, 0, 1, 1], [], []>, transpose_lhs_hint = false} : vector<2048x64xf32>, vector<64x128xf32>, vector<2048x128xf32> -> vector<2048x128xf32>
    %add3A_29 = arith.addf %add3A, %dot_general3A_28 : vector<2048x128xf32>
    %get3A_30 = arith.constant 0 : index
    %get3A_31 = arith.constant 0 : index
    %get3A_32 = vector.load %arg8[%get3A_30, %get3A_31] : memref<1x128xf32, #tpu.memory_space<vmem>>, vector<1x128xf32>
    %add3A_33 = vector.broadcast %get3A_32 : vector<1x128xf32> to vector<2048x128xf32>
    %add3A_34 = arith.addf %add3A_29, %add3A_33 : vector<2048x128xf32>
    %max3A = arith.constant 0.000000e+00 : f32
    %max3A_35 = vector.broadcast %max3A : f32 to vector<2048x128xf32>
    %max3A_36 = arith.maximumf %add3A_34, %max3A_35 : vector<2048x128xf32>
    %get3A_37 = arith.constant 0 : index
    %get3A_38 = arith.constant 0 : index
    %get3A_39 = vector.load %arg9[%get3A_37, %get3A_38] : memref<128x128xf32, #tpu.memory_space<vmem>>, vector<128x128xf32>
    %dot_general3A_40 = arith.constant dense<0.000000e+00> : vector<2048x128xf32>
    %dot_general3A_41 = tpu.matmul %max3A_36, %get3A_39, %dot_general3A_40 {dimension_numbers = #tpu.dot_dimension_numbers<[1], [0], [0], [1], [0, 0, 1, 1], [], []>, transpose_lhs_hint = false} : vector<2048x128xf32>, vector<128x128xf32>, vector<2048x128xf32> -> vector<2048x128xf32>
    %get3A_42 = arith.constant 0 : index
    %get3A_43 = arith.constant 0 : index
    %get3A_44 = vector.load %arg10[%get3A_42, %get3A_43] : memref<1x128xf32, #tpu.memory_space<vmem>>, vector<1x128xf32>
    %add3A_45 = vector.broadcast %get3A_44 : vector<1x128xf32> to vector<2048x128xf32>
    %add3A_46 = arith.addf %dot_general3A_41, %add3A_45 : vector<2048x128xf32>
    %max3A_47 = arith.constant 0.000000e+00 : f32
    %max3A_48 = vector.broadcast %max3A_47 : f32 to vector<2048x128xf32>
    %max3A_49 = arith.maximumf %add3A_46, %max3A_48 : vector<2048x128xf32>
    %get3A_50 = arith.constant 0 : index
    %get3A_51 = arith.constant 0 : index
    %get3A_52 = vector.load %arg11[%get3A_50, %get3A_51] : memref<128x1xf32, #tpu.memory_space<vmem>>, vector<128x1xf32>
    %dot_general3A_53 = arith.constant dense<0.000000e+00> : vector<2048x1xf32>
    %dot_general3A_54 = tpu.matmul %max3A_49, %get3A_52, %dot_general3A_53 {dimension_numbers = #tpu.dot_dimension_numbers<[1], [0], [0], [1], [0, 0, 1, 1], [], []>, transpose_lhs_hint = false} : vector<2048x128xf32>, vector<128x1xf32>, vector<2048x1xf32> -> vector<2048x1xf32>
    %get3A_55 = arith.constant 0 : index
    %get3A_56 = arith.constant 0 : index
    %get3A_57 = vector.load %arg12[%get3A_55, %get3A_56] : memref<1x1xf32, #tpu.memory_space<vmem>>, vector<1x1xf32>
    %add3A_58 = vector.broadcast %get3A_57 : vector<1x1xf32> to vector<2048x1xf32>
    %add3A_59 = arith.addf %dot_general3A_54, %add3A_58 : vector<2048x1xf32>
    %swap3A = arith.constant 0 : index
    %swap3A_60 = arith.constant 0 : index
    %swap3A_61 = vector.load %arg13[%swap3A, %swap3A_60] : memref<2048x1xf32, #tpu.memory_space<vmem>>, vector<2048x1xf32>
    tpu.vector_store %arg13[%swap3A, %swap3A_60], %add3A_59 {strides = array<i32>} : memref<2048x1xf32, #tpu.memory_space<vmem>>, vector<2048x1xf32>,
    return
  }
  func.func @transform_1(%arg0: i32, %arg1: memref<16384xi32, #tpu.memory_space<smem>>) -> (i32, i32) {
    %c0_i32 = arith.constant 0 : i32
    %c0_i32_0 = arith.constant 0 : i32
    return %arg0, %c0_i32 : i32, i32
  }
  func.func @transform_2(%arg0: i32, %arg1: memref<16384xi32, #tpu.memory_space<smem>>) -> (i32, i32) {
    %c0_i32 = arith.constant 0 : i32
    %c0_i32_0 = arith.constant 0 : i32
    return %arg0, %c0_i32 : i32, i32
  }
  func.func @transform_3(%arg0: i32, %arg1: memref<16384xi32, #tpu.memory_space<smem>>) -> (i32, i32) {
    %c0_i32 = arith.constant 0 : i32
    %c0_i32_0 = arith.constant 0 : i32
    %c0_i32_1 = arith.constant 0 : i32
    return %c0_i32, %c0_i32_0 : i32, i32
  }
  func.func @transform_4(%arg0: i32, %arg1: memref<16384xi32, #tpu.memory_space<smem>>) -> (i32, i32) {
    %c0_i32 = arith.constant 0 : i32
    %c0_i32_0 = arith.constant 0 : i32
    %c0_i32_1 = arith.constant 0 : i32
    return %c0_i32, %c0_i32_0 : i32, i32
  }
  func.func @transform_5(%arg0: i32, %arg1: memref<16384xi32, #tpu.memory_space<smem>>) -> (i32, i32) {
    %c0_i32 = arith.constant 0 : i32
    %c0_i32_0 = arith.constant 0 : i32
    %c0_i32_1 = arith.constant 0 : i32
    return %c0_i32, %c0_i32_0 : i32, i32
  }
  func.func @transform_6(%arg0: i32, %arg1: memref<16384xi32, #tpu.memory_space<smem>>) -> (i32, i32) {
    %c0_i32 = arith.constant 0 : i32
    %c0_i32_0 = arith.constant 0 : i32
    %c0_i32_1 = arith.constant 0 : i32
    return %c0_i32, %c0_i32_0 : i32, i32
  }
  func.func @transform_7(%arg0: i32, %arg1: memref<16384xi32, #tpu.memory_space<smem>>) -> (i32, i32) {
    %c0_i32 = arith.constant 0 : i32
    %c0_i32_0 = arith.constant 0 : i32
    %c0_i32_1 = arith.constant 0 : i32
    return %c0_i32, %c0_i32_0 : i32, i32
  }
  func.func @transform_8(%arg0: i32, %arg1: memref<16384xi32, #tpu.memory_space<smem>>) -> (i32, i32) {
    %c0_i32 = arith.constant 0 : i32
    %c0_i32_0 = arith.constant 0 : i32
    %c0_i32_1 = arith.constant 0 : i32
    return %c0_i32, %c0_i32_0 : i32, i32
  }
  func.func @transform_9(%arg0: i32, %arg1: memref<16384xi32, #tpu.memory_space<smem>>) -> (i32, i32) {
    %c0_i32 = arith.constant 0 : i32
    %c0_i32_0 = arith.constant 0 : i32
    %c0_i32_1 = arith.constant 0 : i32
    return %c0_i32, %c0_i32_0 : i32, i32
  }
  func.func @transform_10(%arg0: i32, %arg1: memref<16384xi32, #tpu.memory_space<smem>>) -> (i32, i32) {
    %c0_i32 = arith.constant 0 : i32
    %c0_i32_0 = arith.constant 0 : i32
    %c0_i32_1 = arith.constant 0 : i32
    return %c0_i32, %c0_i32_0 : i32, i32
  }
  func.func @transform_11(%arg0: i32, %arg1: memref<16384xi32, #tpu.memory_space<smem>>) -> (i32, i32) {
    %c0_i32 = arith.constant 0 : i32
    %c0_i32_0 = arith.constant 0 : i32
    return %arg0, %c0_i32 : i32, i32
  }
}

</mosaic_0001>

<sc_bundles>
// kernel: kernel.4.cloned.1.call-start
scs
__scs_entry_jumppad:
0x0: {  	(pc) =	sbr.rel $0x88, $3  }
0x1: {  	(tag) =	ssettag $0x0;
	lr =	simm.s32 $0x1  }
0x2: {  	[smem:$0x3F98] =	sst lr;
	_ =	strace $0xD0000000  }
0x3: {  	_ = 	snop  }
0x4: {  	_ = 	snop  }
0x5: {  	_ = 	snop  }
0x6: {  	_ = 	snop  }
0x7: {  	_ = 	snop  }
__scs_overlays_trampoline_lowered:
0x8: {  	[smem:$0x3FA7] =	sst s0  }
0x9: {  	[smem:$0x3FA8] =	sst s1  }
0xa: {  	[smem:$0x3FA9] =	sst s2  }
0xb: {  	[smem:$0x3FAA] =	sst s3  }
0xc: {  	[smem:$0x3FAB] =	sst s4  }
0xd: {  	[smem:$0x3FAC] =	sst s5  }
0xe: {  	[smem:$0x3FAD] =	sst s6  }
0xf: {  	[smem:$0x3FAE] =	sst s7  }
0x10: {  	[smem:$0x3FAF] =	sst s8  }
0x11: {  	[smem:$0x3FB0] =	sst s9;
	s0 =	simm.s32 @!p0 $0x0  }
0x12: {  	s1 =	sld [smem:$0x3F96];
	s0 =	simm.s32 @p0 $0x1  }
0x13: {  	[smem:$0x3FB1] =	sst s0;
	s0 =	simm.s32 @!p1 $0x0  }
0x14: {  	s2 =	sld [smem:$0x3F95];
	s0 =	simm.s32 @p1 $0x1  }
0x15: {  	[smem:$0x3FB2] =	sst s0;
	s0 =	simm.s32 @!p2 $0x0  }
0x16: {  	s3 =	sld [smem:$0x3FDB];
	s0 =	simm.s32 @p2 $0x1  }
0x17: {  	s4 =	simm.s32 $0x1BF5;
	[smem:$0x3FB4] =	sst s0  }
0x18: {  	s0 =	sld [smem:$0x3F97];
	_ =	swait.ge [sflag:s4], $0x0  }
0x19: {  	s7 =	sld [smem:$0x3F98]  }
0x1a: {  	s8 =	sadd.s32 $0xFFFFE003, lr  }
0x1b: {  	s9 =	sadd.s32 $0xFFFFFEF7, lr;
	s5 =	simm.s32 $0xFFFFFFFF;
	p2 =	slt.u32 s8, $0xFFFFF086  }
0x1c: {  	p1 =	slt.u32 s9, $0xF7A;
	s5 =	simm.s32 @!p2 $0x0  }
0x1d: {  	s5 =	simm.s32 @p1 $0x1;
	p0 =	seq.s32 s7, s2  }
0x1e: {  	s7 =	smul.u32 @!p0 $0xF7A, s2;
	p2 =	seq.s32 @!p0 s5, $0x0  }
0x1f: {  	s9 =	smul.u32 $0xF7A, s1;
	s8 =	simm.s32 @!p0 $0x1BF5;
	p2 =	por !p2, p0  }
0x20: {  	[sflag:s8] =	ssyncset.s32 @!p0 $0xFFFFF086;
	s6 =	sadd.s32 @!p0 s3, s7;
	s7 =	simm.s32 @!p0 $0x108  }
0x21: {  	s3 =	sadd.s32 s3, s9;
	s6 =	sadd.s32 @!p0 $0x88, s6;
	s7 =	simm.s32 @p2 $0x1082  }
0x22: {  	[simem:s7], [sflag:s8] =	dma.local @!p0 [hbm:s6], $0xF7A  }
0x23: {  	s9 =	sor.u32 $0xD0000000, s2;
	s6 =	simm.s32 $0x108;
	_ =	swait.ge @!p0 [sflag:s8], $0x0  }
0x24: {  	s3 =	sadd.s32 $0x88, s3;
	s6 =	simm.s32 @!p1 $0x1082;
	[sflag:s4] =	ssyncset.s32 $0xFFFFF086  }
0x25: {  	[simem:s6], [sflag:s4] =	dma.local [hbm:s3], $0xF7A  }
0x26: {  	[smem:$0x3F98] =	sst s1;
	(tag) =	ssettag s2;
	_ =	strace s9  }
0x27: {  	s1 =	sld [smem:$0x3FA8]  }
0x28: {  	s2 =	sld [smem:$0x3FA9]  }
0x29: {  	s4 =	sld [smem:$0x3FAB]  }
0x2a: {  	p0 =	seq.s32 s5, $0x0;
	s5 =	sld [smem:$0x3FAC]  }
0x2b: {  	s6 =	sld [smem:$0x3FAD]  }
0x2c: {  	s7 =	sld [smem:$0x3FAE]  }
0x2d: {  	s3 =	simm.s32 $0x108;
	s8 =	sld [smem:$0x3FAF]  }
0x2e: {  	s3 =	simm.s32 @!p0 $0x1082;
	s9 =	sld [smem:$0x3FB0]  }
0x2f: {  	lr =	sadd.s32 s0, s3;
	s0 =	sld [smem:$0x3FA7]  }
0x30: {  	s3 =	sld [smem:$0x3FAA]  }
0x31: {  	[smem:$0x3FB3] =	sst s10  }
0x32: {  	s10 =	sld [smem:$0x3FB1];
	_ =	sdelay $0x3  }
0x33: {  	p0 =	seq.s32 s10, $0x1;
	s10 =	sld [smem:$0x3FB3];
	_ =	sdelay $0x3  }
0x34: {  	[smem:$0x3FB3] =	sst s10  }
0x35: {  	s10 =	sld [smem:$0x3FB2];
	_ =	sdelay $0x3  }
0x36: {  	p1 =	seq.s32 s10, $0x1;
	s10 =	sld [smem:$0x3FB3];
	_ =	sdelay $0x3  }
0x37: {  	[smem:$0x3FB3] =	sst s10  }
0x38: {  	s10 =	sld [smem:$0x3FB4]  }
0x39: {  	_ = 	snop;
	(pc) =	sbr.ind lr, $3  }
0x3a: {  	_ = 	snop  }
0x3b: {  	_ = 	snop  }
0x3c: {  	p2 =	seq.s32 s10, $0x1;
	s10 =	sld [smem:$0x3FB3]  }
0x3d: {  	_ =	shalt  }
0x3e: {  	_ =	shalt  }
0x3f: {  	_ =	shalt  }
0x40: {  	_ =	shalt  }
0x41: {  	_ =	shalt  }
0x42: {  	_ =	shalt  }
0x43: {  	_ =	shalt  }
0x44: {  	_ =	shalt  }
0x45: {  	_ =	shalt  }
0x46: {  	_ =	shalt  }
0x47: {  	_ =	shalt  }
0x48: {  	_ =	shalt  }
0x49: {  	_ =	shalt  }
0x4a: {  	_ =	shalt  }
0x4b: {  	_ =	shalt  }
0x4c: {  	_ =	shalt  }
0x4d: {  	_ =	shalt  }
0x4e: {  	_ =	shalt  }
0x4f: {  	_ =	shalt  }
0x50: {  	_ =	shalt  }
0x51: {  	_ =	shalt  }
0x52: {  	_ =	shalt  }
0x53: {  	_ =	shalt  }
0x54: {  	_ =	shalt  }
0x55: {  	_ =	shalt  }
0x56: {  	_ =	shalt  }
0x57: {  	_ =	shalt  }
0x58: {  	_ =	shalt  }
0x59: {  	_ =	shalt  }
0x5a: {  	_ =	shalt  }
0x5b: {  	_ =	shalt  }
0x5c: {  	_ =	shalt  }
0x5d: {  	_ =	shalt  }
0x5e: {  	_ =	shalt  }
0x5f: {  	_ =	shalt  }
0x60: {  	_ =	shalt  }
0x61: {  	_ =	shalt  }
0x62: {  	_ =	shalt  }
0x63: {  	_ =	shalt  }
0x64: {  	_ =	shalt  }
0x65: {  	_ =	shalt  }
0x66: {  	_ =	shalt  }
0x67: {  	_ =	shalt  }
0x68: {  	_ =	shalt  }
0x69: {  	_ =	shalt  }
0x6a: {  	_ =	shalt  }
0x6b: {  	_ =	shalt  }
0x6c: {  	_ =	shalt  }
0x6d: {  	_ =	shalt  }
0x6e: {  	_ =	shalt  }
0x6f: {  	_ =	shalt  }
0x70: {  	_ =	shalt  }
0x71: {  	_ =	shalt  }
0x72: {  	_ =	shalt  }
0x73: {  	_ =	shalt  }
0x74: {  	_ =	shalt  }
0x75: {  	_ =	shalt  }
0x76: {  	_ =	shalt  }
0x77: {  	_ =	shalt  }
0x78: {  	_ =	shalt  }
0x79: {  	_ =	shalt  }
0x7a: {  	_ =	shalt  }
0x7b: {  	_ =	shalt  }
0x7c: {  	_ =	shalt  }
0x7d: {  	_ =	shalt  }
0x7e: {  	_ =	shalt  }
0x7f: {  	_ =	shalt  }
0x80: {  	_ =	shalt  }
0x81: {  	_ =	shalt  }
0x82: {  	_ =	shalt  }
0x83: {  	_ =	shalt  }
0x84: {  	_ =	shalt  }
0x85: {  	_ =	shalt  }
0x86: {  	_ =	shalt  }
0x87: {  	_ =	shalt  }
.Lfunc_end0:
.L_simem_size_0:
called_computation_lowered:
.L_overlay_start_0:
0x88: {  	s2 =	sld [smem:$0x3FD9]  }
0x89: {  	s3 =	sld [smem:$0x3FFE];
	_ =	sdelay $0x1  }
0x8a: {  	s1 =	srdreg.scid  }
0x8b: {  	s0 =	sand.u32 $0x1, s1  }
0x8c: {  	s17 =	sshll.u32 s0, $0xA;
	s2 =	sadd.s32 s3, s2  }
0x8d: {  	s2 =	sadd.s32 s2, s17  }
0x8e: {  	[smem:$0x3FBF] =	sst s2  }
0x8f: {  	_ = 	snop  }
0x90: {  	s2 =	sld [smem:$0x3FD0];
	(tm) =	ssettm $0x1  }
0x91: {  	s18 =	sld [smem:$0x3FFB];
	_ =	sdelay $0x3  }
0x92: {  	_ =	strace s18  }
0x93: {  	s3 =	sld [smem:$0x3FFC];
	_ =	sdelay $0x3  }
0x94: {  	_ =	strace s3  }
0x95: {  	s3 =	sld [smem:$0x3FFD];
	_ =	sdelay $0x3  }
0x96: {  	_ =	strace s3  }
0x97: {  	_ =	strace $0x8FFFFFFF  }
0x98: {  	s19 =	sld [smem:$0x3FDB];
	_ =	sdelay $0x1  }
0x99: {  	s4 =	simm.s32 $_scs_section_size  }
0x9a: {  	s5 =	simm.s32 $_size__tile_overlayer_lowered;
	s6 =	simm.s32 $_tile_overlayer_lowered  }
0x9b: {  	s22 =	simm.s32 $0x1BFF;
	s21 =	sshll.u32 s6, $0x1;
	s3 =	sadd.s32 s4, s19  }
0x9c: {  	s7 =	simm.s32 $0x0;
	s20 =	sshll.u32 s5, $0x1;
	s5 =	sadd.s32 s21, s3  }
0x9d: {  	[timem:s7], [sflag:s22] =	dma.local [hbm:s5], s20  }
0x9e: {  	_ =	swait.ge [sflag:s22], s20  }
0x9f: {  	s4 =	ssub.s32 $0x0, s20;
	[sflag:s22] =	ssyncset.done $0x0  }
0xa0: {  	[sflag:s22] =	ssyncadd.s32 s4;
	_ =	sdelay $0x1  }
0xa1: {  	s23 =	simm.s32 $0x1B8B  }
0xa2: {  	_ =	swait.ge [sflag:s23], $0x1  }
0xa3: {  	[sflag:s23] =	ssyncset.done $0x0  }
0xa4: {  	s25 =	simm.s32 $0x1B8E;
	s24 =	sld [smem:$0x3FFE];
	[sflag:s23] =	ssyncadd.s32 $0xFFFFFFFF  }
0xa5: {  	s26 =	simm.s32 $execute0_lowered;
	[smem:$0x3FD2] =	sst s25  }
0xa6: {  	s5 =	sshll.u32 s26, $0x1;
	_ =	strace $0x80000046;
	[dreg:$0x1] =	wrdreg $0xFFFFFFFF  }
0xa7: {  	s28 =	simm.s32 $_size_execute0_lowered;
	s3 =	sadd.s32 s3, s5;
	[dreg:$0x0] =	wrdreg $0x0  }
0xa8: {  	s5 =	sshll.u32 s28, $0x1;
	[dreg:$0x2] =	wrdreg s3  }
0xa9: {  	[dreg:$0x3] =	wrdreg s5  }
0xaa: {  	[dreg:$0x4] =	wrdreg $0xC0  }
0xab: {  	_ =	task [dreg:s7], $0x5FFFF  }
0xac: {  	[dreg:$0x1] =	wrdreg $0xFFFFFFFF  }
0xad: {  	[dreg:$0x0] =	wrdreg $0x60  }
0xae: {  	[dreg:$0x2] =	wrdreg s2  }
0xaf: {  	[dreg:$0x3] =	wrdreg s24  }
0xb0: {  	[dreg:$0x4] =	wrdreg $0x9  }
0xb1: {  	_ =	task.clear_ibuf [dreg:s7], $0x5FFFF;
	_ =	strace $0x90000046  }
0xb2: {  	s29 =	simm.s32 $0x9;
	_ =	strace $0x80000048  }
0xb3: {  	_ =	swait.ge [sflag:s29], $0x1  }
0xb4: {  	[sflag:s29] =	ssyncadd.s32 $0xFFFFFFFF  }
0xb5: {  	_ =	strace $0x90000048  }
0xb6: {  	_ =	sfence  }
0xb7: {  	s30 =	sld [smem:$0x0];
	_ =	sdelay $0x2  }
0xb8: {  	s31 =	sshll.u32 s1, $0xD;
	s1 =	sshrl.u32 s1, $0x2  }
0xb9: {  	s3 =	sand.u32 $0x4000, s31;
	s1 =	sadd.s32 s1, s30  }
0xba: {  	s0 =	sor.u32 s3, s0;
	s1 =	sshll.u32 s1, $0x11  }
0xbb: {  	s0 =	sor.u32 s1, s0  }
0xbc: {  	s0 =	sadd.s32 $0x8F2B, s0  }
0xbd: {  	[sflag:s0] =	ssyncadd.remote.s32 $0x1  }
0xbe: {  	_ =	sfence.sel $0xFFFF  }
0xbf: {  	[dreg:$0x0] =	wrdreg $0xFFFFFFFF;
	(pc) =	sbr.abs _section_cstart, $3  }
0xc0: {  	[dreg:$0x1] =	wrdreg $0xFFFFFFFF  }
0xc1: {  	_ =	task.clear_ibuf [dreg:s7], $0x2FFFF;
	_ =	strace $0x9FFFFFFF  }
0xc2: {  	(tm) =	ssettm $0x7FFFFFFF  }
0xc3: {  	_ =	shalt  }
tec
execute0_lowered:
.L_overlay_start_1:
0x0: {  	(tag) =	ssettag $0x1  }
0x1: {  	s1 =	srdreg.scid  }
0x2: {  	s3 =	rddreg [dreg:$0x0];
	s0 =	stileid.u32;
	s14 =	sand.u32 $0x1, s1  }
0x3: {  	s15 =	rddreg [dreg:$0x1];
	s4 =	sshll.u32 s0, $0xA;
	s5 =	sshll.u32 s14, $0x9  }
0x4: {  	s2 =	simm.s32 $0x0;
	s1 =	rddreg [dreg:$0x2];
	s16 =	sor.u32 s5, s4  }
0x5: {  	[smem:$0x7FF] =	sst s2;
	s4 =	sshrl.u32 s16, $0x3  }
0x6: {  	_ =	strace $0x80000047;
	s4 =	sadd.s32 s3, s4;
	s3 =	simm.s32 $0x2  }
0x7: {  	[tilespmem:s2], [sflag:$0x2] =	stream.linear.gather [hbm4b:s4+s2], $0x200, $0x38;
	[tilespmem:$0x2200] =	vst v63  }
0x8: {  	_ =	swait.ge [sflag:s3], $0x200  }
0x9: {  	s6 =	simm.s32 $0x80;
	[sflag:s3] =	ssyncset.done $0x0  }
0xa: {  	s7 =	simm.s32 $0x200;
	s5 =	sadd.s32 $0x189200, s15;
	[sflag:s3] =	ssyncadd.s32 $0xFFFFFE00  }
0xb: {  	[tilespmem:s7], [sflag:$0x1] =	stream.indirect.gather [hbm4b:s5+s6], $0x10, s2, s6, $0xb8;
	[tilespmem:$0x2200] =	vst v63  }
0xc: {  	s8 =	simm.s32 $0xA00  }
0xd: {  	[tilespmem:s8], [sflag:$0x1] =	stream.indirect.gather [hbm4b:s5+s6], $0x10, s6, s6, $0xb8;
	[tilespmem:$0x2200] =	vst v63  }
0xe: {  	s9 =	simm.s32 $0x100;
	s10 =	simm.s32 $0x1200  }
0xf: {  	[tilespmem:s10], [sflag:$0x1] =	stream.indirect.gather [hbm4b:s5+s6], $0x10, s9, s6, $0xb8;
	[tilespmem:$0x2200] =	vst v63  }
0x10: {  	s11 =	simm.s32 $0x180;
	s12 =	simm.s32 $0x1A00;
	s13 =	simm.s32 $0x1  }
0x11: {  	[tilespmem:s12], [sflag:$0x1] =	stream.indirect.gather [hbm4b:s5+s6], $0x10, s11, s6, $0xb8;
	[tilespmem:$0x2200] =	vst v63  }
0x12: {  	_ =	swait.ge [sflag:s13], $0x800  }
0x13: {  	[sflag:s13] =	ssyncset.done $0x0  }
0x14: {  	[sflag:s13] =	ssyncadd.s32 $0xFFFFF800  }
0x15: {  	_ =	swait.ge [sflag:s13], $0x800  }
0x16: {  	[sflag:s13] =	ssyncset.done $0x0  }
0x17: {  	s14 =	ssub.s32 $0x2, s14;
	[sflag:s13] =	ssyncadd.s32 $0xFFFFF800  }
0x18: {  	s17 =	sshrl.u32 s14, $0x1;
	_ =	swait.ge [sflag:s13], $0x800  }
0x19: {  	s30 =	ssub.s32 s14, s17;
	[sflag:s13] =	ssyncset.done $0x0  }
0x1a: {  	s31 =	smax.u32 s30, $0x1;
	[sflag:s13] =	ssyncadd.s32 $0xFFFFF800  }
0x1b: {  	s16 =	sshll.u32 s16, $0x1;
	p0 =	sne.s32 s31, $0x1;
	_ =	swait.ge [sflag:s13], $0x800  }
.Ltmp0:
0x1c: {  	s15 =	sadd.s32 s16, s15;
	[sflag:s13] =	ssyncset.done $0x0;
	(pc) =	sbr.rel @!p0 .LBB2_2-.Ltmp0, $4  }
0x1d: {  	s14 =	sadd.s32 $0x2800, s15;
	[sflag:s13] =	ssyncadd.s32 $0xFFFFF800  }
0x1e: {  	[hbm4b:s14+s2] =	stream.linear.scatter [tilespmem:s7], [sflag:$0x2], $0x2000, $0x38;
	[tilespmem:$0x2200] =	vst v63  }
0x1f: {  	_ =	swait.ge [sflag:s3], $0x2000  }
0x20: {  	s15 =	sadd.s32 $0xFFFFFFFF, s31;
	[sflag:s3] =	ssyncset.done $0x0  }
.LBB2_1:
0x21: {  	p0 =	sne.s32 s15, $0x1;
	s15 =	sadd.s32 $0xFFFFFFFF, s15;
	[sflag:s3] =	ssyncadd.s32 $0xFFFFE000  }
0x22: {  	[tilespmem:s2], [sflag:$0x2] =	stream.linear.gather [hbm4b:s4+s2], $0x200, $0x38;
	[tilespmem:$0x2200] =	vst v63  }
0x23: {  	_ =	swait.ge [sflag:s3], $0x200  }
0x24: {  	[sflag:s3] =	ssyncset.done $0x0  }
0x25: {  	[sflag:s3] =	ssyncadd.s32 $0xFFFFFE00  }
0x26: {  	[tilespmem:s7], [sflag:$0x1] =	stream.indirect.gather [hbm4b:s5+s6], $0x10, s2, s6, $0xb8;
	[tilespmem:$0x2200] =	vst v63  }
0x27: {  	_ = 	snop  }
0x28: {  	[tilespmem:s8], [sflag:$0x1] =	stream.indirect.gather [hbm4b:s5+s6], $0x10, s6, s6, $0xb8;
	[tilespmem:$0x2200] =	vst v63  }
0x29: {  	_ = 	snop  }
0x2a: {  	[tilespmem:s10], [sflag:$0x1] =	stream.indirect.gather [hbm4b:s5+s6], $0x10, s9, s6, $0xb8;
	[tilespmem:$0x2200] =	vst v63  }
0x2b: {  	_ = 	snop  }
0x2c: {  	[tilespmem:s12], [sflag:$0x1] =	stream.indirect.gather [hbm4b:s5+s6], $0x10, s11, s6, $0xb8;
	[tilespmem:$0x2200] =	vst v63  }
0x2d: {  	_ =	swait.ge [sflag:s13], $0x800  }
0x2e: {  	[sflag:s13] =	ssyncset.done $0x0  }
0x2f: {  	[sflag:s13] =	ssyncadd.s32 $0xFFFFF800  }
0x30: {  	_ =	swait.ge [sflag:s13], $0x800  }
0x31: {  	[sflag:s13] =	ssyncset.done $0x0  }
0x32: {  	[sflag:s13] =	ssyncadd.s32 $0xFFFFF800  }
0x33: {  	_ =	swait.ge [sflag:s13], $0x800  }
0x34: {  	[sflag:s13] =	ssyncset.done $0x0  }
0x35: {  	[sflag:s13] =	ssyncadd.s32 $0xFFFFF800  }
0x36: {  	_ =	swait.ge [sflag:s13], $0x800  }
.Ltmp1:
0x37: {  	[sflag:s13] =	ssyncset.done $0x0;
	(pc) =	sbr.rel @p0 .LBB2_1-.Ltmp1, $4  }
0x38: {  	[sflag:s13] =	ssyncadd.s32 $0xFFFFF800  }
0x39: {  	[hbm4b:s14+s2] =	stream.linear.scatter [tilespmem:s7], [sflag:$0x2], $0x2000, $0x38;
	[tilespmem:$0x2200] =	vst v63  }
0x3a: {  	_ =	swait.ge [sflag:s3], $0x2000  }
0x3b: {  	[sflag:s3] =	ssyncset.done $0x0  }
.LBB2_2:
0x3c: {  	[sflag:s3] =	ssyncadd.s32 $0xFFFFE000  }
0x3d: {  	_ =	sfence.sel $0x180000  }
0x3e: {  	[bflag:$0x0] =	sbarrier.arrive $0xFFFF  }
0x3f: {  	p0 =	sne.s32 s0, $0x0;
	_ =	strace $0x90000047  }
0x40: {  	s0 =	sadd.s32 @!p0 $0x100000, s1;
	[bflag:$0x2] =	sbarrier.arrive $0xFFFF  }
0x41: {  	[sflag:s0] =	ssyncadd.tile.s32 @!p0 $0x1;
	_ =	shalt  }
.Lfunc_end2:
_tile_overlayer_lowered:
.L_overlay_start_2:
0x42: {  	(tag) =	ssettag $0x2  }
0x43: {  	s0 =	rddreg [dreg:$0x0];
	s2 =	stileid.u32  }
0x44: {  	s1 =	rddreg [dreg:$0x1];
	p0 =	sne.s32 s2, $0x0  }
0x45: {  	s3 =	rddreg [dreg:$0x2];
	[bflag:$0x3] =	sbarrier.arrive $0xFFFF;
	s2 =	simm.s32 @!p0 $0x1C02  }
0x46: {  	[timem:s3], [sflag:s2] =	dma.local @!p0 [hbm:s0], s1  }
0x47: {  	s0 =	simm.s32 @!p0 $0x2  }
0x48: {  	_ =	swait.ge @!p0 [sflag:s0], s1  }
0x49: {  	s1 =	ssub.s32 @!p0 $0x0, s1;
	[sflag:s0] =	ssyncset.done @!p0 $0x0  }
0x4a: {  	[sflag:s0] =	ssyncadd.s32 @!p0 s1  }
0x4b: {  	[bflag:$0x3] =	sbarrier.arrive $0xFFFF  }
0x4c: {  	_ =	shalt  }

</sc_bundles>
